<compile_context>
chip_gen: v7x
topology: tpu7x:2x2x1
jax: 0.10.2.dev20260603
libtpu: 0.0.44.dev20260713+nightly
codegen_flags: <defaults>
</compile_context>

<pallas_src>
import functools

import jax
import jax.numpy as jnp
from jax import lax
from jax.experimental import pallas as pl
from jax.experimental.pallas import tpu as pltpu
from jax.experimental.pallas import tpu_sc as plsc

_N_CORES = 2
_N_SUBCORES = 16
_K = 128


def _round_up(a, b):
    return (a + b - 1) // b * b


@functools.partial(jax.jit, static_argnums=(3, 4, 5))
def _sc_gather_scatter(table, src_idx, dst_idx, npad, n_chunks, d):
    half = npad // _N_CORES
    hacc = half + 512
    rows_wb = half // _N_SUBCORES
    mesh = plsc.VectorSubcoreMesh(core_axis_name="c", subcore_axis_name="s")

    @functools.partial(
        pl.kernel,
        out_type=jax.ShapeDtypeStruct((npad, d), jnp.float32),
        mesh=mesh,
        scratch_types=[
            pltpu.VMEM((n_chunks, _K), jnp.int32),
            pltpu.VMEM((n_chunks, _K), jnp.int32),
            pltpu.VMEM((_K, d), jnp.float32),
            pltpu.VMEM((_K, d), jnp.float32),
            pltpu.VMEM_SHARED((hacc, d), jnp.float32),
            pltpu.SemaphoreType.DMA,
            pltpu.SemaphoreType.DMA,
        ],
    )
    def body(table_hbm, src_hbm, dst_hbm, out_hbm,
             src_v, dst_v, b0, b1, acc, sem0, sem1):
        cid = lax.axis_index("c")
        sid = lax.axis_index("s")

        pltpu.sync_copy(src_hbm.at[sid], src_v)
        pltpu.sync_copy(dst_hbm.at[sid], dst_v)

        base = cid * half

        def remap(j, carry):
            for v in range(_K // 16):
                sl = pl.ds(v * 16, 16)
                raw = dst_v[j, sl]
                t = raw - base
                ok = (t >= 0) & (t < half)
                dst_v[j, sl] = jnp.where(ok, t, half + (raw & 511))
            return carry

        lax.fori_loop(0, n_chunks, remap, 0)

        def zrow(j, carry):
            for col in range(d // 16):
                b0[j, pl.ds(col * 16, 16)] = jnp.zeros((16,), jnp.float32)
            return carry

        lax.fori_loop(0, 64, zrow, 0)
        n_zb = hacc // 64
        for blk in range((n_zb + _N_SUBCORES - 1) // _N_SUBCORES):
            zi = blk * _N_SUBCORES + sid

            @pl.when(zi < n_zb)
            def _():
                pltpu.sync_copy(b0.at[pl.ds(0, 64)], acc.at[pl.ds(zi * 64, 64)])
        plsc.subcore_barrier()

        n_pairs = n_chunks // 2
        pltpu.async_copy(table_hbm.at[src_v.at[0]], b0, sem0)

        def pair(p, carry):
            j0 = 2 * p
            pltpu.async_copy(table_hbm.at[src_v.at[j0 + 1]], b1, sem1)
            pltpu.make_async_copy(table_hbm.at[src_v.at[j0]], b0, sem0).wait()
            pltpu.sync_copy(b0, acc.at[dst_v.at[j0]], add=True)

            @pl.when(p + 1 < n_pairs)
            def _():
                pltpu.async_copy(table_hbm.at[src_v.at[j0 + 2]], b0, sem0)

            pltpu.make_async_copy(table_hbm.at[src_v.at[j0 + 1]], b1,
                                  sem1).wait()
            pltpu.sync_copy(b1, acc.at[dst_v.at[j0 + 1]], add=True)
            return carry

        lax.fori_loop(0, n_pairs, pair, 0)

        plsc.subcore_barrier()
        for blk in range(rows_wb // 64):
            r0 = sid * rows_wb + blk * 64
            pltpu.sync_copy(acc.at[pl.ds(r0, 64)], b0.at[pl.ds(0, 64)])
            pltpu.sync_copy(b0.at[pl.ds(0, 64)],
                            out_hbm.at[pl.ds(base + r0, 64)])

    return body(table, src_idx, dst_idx)


@functools.partial(jax.jit, static_argnums=(1, 2))
def _sc_degree(dst_idx, npad, n_chunks):
    rows_per_tile = npad // _N_SUBCORES
    half_chunks = n_chunks // _N_CORES
    mesh = plsc.VectorSubcoreMesh(core_axis_name="c", subcore_axis_name="s")

    @functools.partial(
        pl.kernel,
        out_type=jax.ShapeDtypeStruct((_N_CORES * npad,), jnp.float32),
        mesh=mesh,
        scratch_types=[
            pltpu.VMEM((n_chunks, _K), jnp.int32),
            pltpu.VMEM((_K,), jnp.float32),
            pltpu.VMEM((rows_per_tile,), jnp.float32),
            pltpu.VMEM_SHARED((npad,), jnp.float32),
        ],
    )
    def body(dst_hbm, out_hbm, dst_v, ones_v, stage_v, acc):
        cid = lax.axis_index("c")
        sid = lax.axis_index("s")

        pltpu.sync_copy(dst_hbm.at[sid], dst_v)
        for i in range(_K // 16):
            ones_v[pl.ds(i * 16, 16)] = jnp.ones((16,), jnp.float32)

        def zfill(j, carry):
            stage_v[pl.ds(j * 16, 16)] = jnp.zeros((16,), jnp.float32)
            return carry

        lax.fori_loop(0, rows_per_tile // 16, zfill, 0)
        r0 = sid * rows_per_tile
        pltpu.sync_copy(stage_v, acc.at[pl.ds(r0, rows_per_tile)])
        plsc.subcore_barrier()

        def chunk(j, carry):
            pltpu.sync_copy(ones_v, acc.at[dst_v.at[j]], add=True)
            return carry

        lax.fori_loop(cid * half_chunks, (cid + 1) * half_chunks, chunk, 0)

        plsc.subcore_barrier()
        pltpu.sync_copy(acc.at[pl.ds(r0, rows_per_tile)], stage_v)
        pltpu.sync_copy(stage_v,
                        out_hbm.at[pl.ds(cid * npad + r0, rows_per_tile)])

    return body(dst_idx)


def _dis(degp):
    deg = degp[:, 0:1] + degp[:, 1:2]
    return jnp.where(deg > 0, lax.rsqrt(deg), 0.0)


def _tc_scale_matmul(xpad, w, degp, n):
    npad = xpad.shape[0]

    def body(x_ref, w_ref, degp_ref, y_ref):
        dis = _dis(degp_ref[...])
        xw = jnp.dot(x_ref[...], w_ref[...], preferred_element_type=jnp.float32)
        rows = lax.broadcasted_iota(jnp.int32, (npad, 1), 0)
        y_ref[...] = jnp.where(rows < n, dis * xw, 0.0)

    return pl.pallas_call(
        body,
        out_shape=jax.ShapeDtypeStruct((npad, w.shape[1]), jnp.float32),
    )(xpad, w, degp)


def _tc_combine_scale_matmul(s, degp, b, w, n):
    npad = s.shape[0]

    def body(s_ref, degp_ref, b_ref, w_ref, y_ref):
        dis = _dis(degp_ref[...])
        h = dis * s_ref[...] + b_ref[...][None, :]
        hw = jnp.dot(h, w_ref[...], preferred_element_type=jnp.float32)
        rows = lax.broadcasted_iota(jnp.int32, (npad, 1), 0)
        y_ref[...] = jnp.where(rows < n, dis * hw, 0.0)

    return pl.pallas_call(
        body,
        out_shape=jax.ShapeDtypeStruct((npad, w.shape[1]), jnp.float32),
    )(s, degp, b, w)


def _tc_combine_scale(s, degp, b):
    npad, d = s.shape

    def body(s_ref, degp_ref, b_ref, y_ref):
        dis = _dis(degp_ref[...])
        y_ref[...] = dis * s_ref[...] + b_ref[...][None, :]

    return pl.pallas_call(
        body,
        out_shape=jax.ShapeDtypeStruct((npad, d), jnp.float32),
    )(s, degp, b)


def kernel(x, edge_index, W1, b1, W2, b2):
    n, d_in = x.shape
    d = W1.shape[1]
    e = edge_index.shape[1]

    npad = _round_up(n + 1, _N_SUBCORES * 16)
    e_tot = e + n
    epad = _round_up(e_tot, _N_SUBCORES * _K * 2)
    n_chunks = epad // (_N_SUBCORES * _K)

    ei = edge_index.astype(jnp.int32)
    loops = jnp.arange(n, dtype=jnp.int32)
    fill = jnp.full((epad - e_tot,), n, dtype=jnp.int32)
    src_3d = jnp.concatenate([ei[0], loops, fill]).reshape(_N_SUBCORES, n_chunks, _K)
    dst_3d = jnp.concatenate([ei[1], loops, fill]).reshape(_N_SUBCORES, n_chunks, _K)

    xpad = jnp.pad(x, ((0, npad - n), (0, 0)))

    degp = _sc_degree(dst_3d, npad, n_chunks).reshape(_N_CORES, npad).T

    y1 = _tc_scale_matmul(xpad, W1, degp, n)
    s1 = _sc_gather_scatter(y1, src_3d, dst_3d, npad, n_chunks, d)

    y2 = _tc_combine_scale_matmul(s1, degp, b1, W2, n)
    s2 = _sc_gather_scatter(y2, src_3d, dst_3d, npad, n_chunks, d)

    out = _tc_combine_scale(s2, degp, b2)
    return out[:n]

# --- scband reference (transcript-rebuilt; emitter-appended) ---
"""Pipeline reference for scband-gcnconv-encoder-22316650070981 (READ-ONLY COPY).

The authoritative reference and input builder live on the scoring server;
editing this copy changes nothing except your own understanding.
"""

import jax, jax.numpy as jnp
import numpy as np

N_NODES = 10000
D_IN = 128
D_OUT = 128
N_EDGES = 320000


def setup_inputs(seed: int = 0) -> dict:
    key = jax.random.key(seed)
    k_x, k_e, k_w1, k_w2 = jax.random.split(key, 4)
    x = jax.random.normal(k_x, (N_NODES, D_IN), dtype=jnp.float32)
    edge_index = jax.random.randint(k_e, (2, N_EDGES), 0, N_NODES, dtype=jnp.int64)
    # Glorot-style init like PyG GCNConv
    s1 = float(np.sqrt(6.0 / (D_IN + D_OUT)))
    W1 = jax.random.uniform(k_w1, (D_IN, D_OUT), dtype=jnp.float32, minval=-s1, maxval=s1)
    b1 = jnp.zeros((D_OUT,), dtype=jnp.float32)
    s2 = float(np.sqrt(6.0 / (D_OUT + D_OUT)))
    W2 = jax.random.uniform(k_w2, (D_OUT, D_OUT), dtype=jnp.float32, minval=-s2, maxval=s2)
    b2 = jnp.zeros((D_OUT,), dtype=jnp.float32)
    return {"x": x, "edge_index": edge_index, "W1": W1, "b1": b1, "W2": W2, "b2": b2}


def _gcn_conv(x, src, dst, W, b, n_nodes):
    # PyG GCNConv with normalize=True, add_self_loops=True:
    #   x' = D^{-1/2} (A + I) D^{-1/2} (X W) + b
    xw = x @ W
    deg = jnp.zeros((n_nodes,), dtype=xw.dtype).at[dst].add(1.0)
    deg_inv_sqrt = deg ** -0.5
    deg_inv_sqrt = jnp.where(jnp.isinf(deg_inv_sqrt), 0.0, deg_inv_sqrt)
    norm = deg_inv_sqrt[src] * deg_inv_sqrt[dst]
    msg = xw[src] * norm[:, None]
    out = jax.ops.segment_sum(msg, dst, num_segments=n_nodes)
    return out + b


def reference(x, edge_index, W1, b1, W2, b2):
    n_nodes = x.shape[0]
    loops = jnp.arange(n_nodes, dtype=edge_index.dtype)
    src = jnp.concatenate([edge_index[0], loops])
    dst = jnp.concatenate([edge_index[1], loops])
    h = _gcn_conv(x, src, dst, W1, b1, n_nodes)
    h = _gcn_conv(h, src, dst, W2, b2, n_nodes)
    return h

if __name__ == "__main__":
    import jax
    _d = setup_inputs()
    print(jax.jit(kernel)(*tuple(_d.values())))

</pallas_src>

<mosaic_0001>
#map = affine_map<(d0, d1) -> (0, 0, 0)>
#map1 = affine_map<(d0, d1) -> (0)>
module attributes {stable_mosaic.version = 14 : i64} {
  func.func @body(%arg0: i32, %arg1: i32, %arg2: memref<16x162x128xi32, #tpu.memory_space<hbm>>, %arg3: memref<20480xf32, #tpu.memory_space<hbm>>, %arg4: memref<162x128xi32, #tpu.memory_space<vmem>>, %arg5: memref<128xf32, #tpu.memory_space<vmem>>, %arg6: memref<640xf32, #tpu.memory_space<vmem>>, %arg7: memref<10240xf32, #tpu.memory_space<vmem_shared>>) attributes {dimension_semantics = [#tpu.dimension_semantics<core_parallel>, #tpu.dimension_semantics<subcore_parallel>], iteration_bounds = array<i64: 2, 16>, scalar_prefetch = 0 : i64, scratch_operands = 4 : i64, tpu.core_type = #tpu.core_type<sc_vector_subcore>, window_params = [{transform_indices = #map}, {transform_indices = #map1}]} {
    "tpu.region"() ({
      %run_scoped3A = tpu.sem_alloc : memref<!tpu.dma_semaphore, #tpu.memory_space<semaphore_mem>>
      %dma_start3A = arith.constant 0 : i32
      %dma_start3A_69 = arith.constant 0 : i32
      %dma_start3A_70 = tpu.memref_slice %arg2[%arg1, %dma_start3A, %dma_start3A_69] : memref<16x162x128xi32, #tpu.memory_space<hbm>> -> memref<1x162x128xi32, #tpu.memory_space<hbm>>
      %dma_start3A_71 = tpu.memref_squeeze %dma_start3A_70 : memref<1x162x128xi32, #tpu.memory_space<hbm>> -> memref<162x128xi32, #tpu.memory_space<hbm>>
      %dma_start3A_72 = arith.constant 0 : i32
      %dma_start3A_73 = arith.constant 0 : i32
      %dma_start3A_74 = tpu.memref_slice %arg2[%arg1, %dma_start3A_72, %dma_start3A_73] : memref<16x162x128xi32, #tpu.memory_space<hbm>> -> memref<1x162x128xi32, #tpu.memory_space<hbm>>
      %dma_start3A_75 = tpu.memref_squeeze %dma_start3A_74 : memref<1x162x128xi32, #tpu.memory_space<hbm>> -> memref<162x128xi32, #tpu.memory_space<hbm>>
      tpu.enqueue_dma source(%dma_start3A_75 : memref<162x128xi32, #tpu.memory_space<hbm>>) target(%arg4 : memref<162x128xi32, #tpu.memory_space<vmem>>) target_semaphore(%run_scoped3A : memref<!tpu.dma_semaphore, #tpu.memory_space<semaphore_mem>>)
      %dma_wait3A = arith.constant 0 : i32
      %dma_wait3A_76 = arith.constant 0 : i32
      %dma_wait3A_77 = tpu.memref_slice %arg2[%arg1, %dma_wait3A, %dma_wait3A_76] : memref<16x162x128xi32, #tpu.memory_space<hbm>> -> memref<1x162x128xi32, #tpu.memory_space<hbm>>
      %dma_wait3A_78 = tpu.memref_squeeze %dma_wait3A_77 : memref<1x162x128xi32, #tpu.memory_space<hbm>> -> memref<162x128xi32, #tpu.memory_space<hbm>>
      %dma_wait3A_79 = arith.constant 0 : i32
      %dma_wait3A_80 = arith.constant 0 : i32
      %dma_wait3A_81 = tpu.memref_slice %arg2[%arg1, %dma_wait3A_79, %dma_wait3A_80] : memref<16x162x128xi32, #tpu.memory_space<hbm>> -> memref<1x162x128xi32, #tpu.memory_space<hbm>>
      %dma_wait3A_82 = tpu.memref_squeeze %dma_wait3A_81 : memref<1x162x128xi32, #tpu.memory_space<hbm>> -> memref<162x128xi32, #tpu.memory_space<hbm>>
      tpu.wait_dma2 semaphore(%run_scoped3A : memref<!tpu.dma_semaphore, #tpu.memory_space<semaphore_mem>>) src(%dma_wait3A_82 : memref<162x128xi32, #tpu.memory_space<hbm>>) dst(%arg4 : memref<162x128xi32, #tpu.memory_space<vmem>>)
      tpu.yield
    }) : () -> ()
    %broadcast_in_dim3A = arith.constant 1.000000e+00 : f32
    %broadcast_in_dim3A_0 = vector.broadcast %broadcast_in_dim3A : f32 to vector<16xf32>
    %swap3A = arith.constant 0 : index
    %swap3A_1 = tpu.vector_load %arg5[%swap3A] {strides = array<i32>} : memref<128xf32, #tpu.memory_space<vmem>>, vector<16xf32>,
    %swap3A_2 = vector.shape_cast %swap3A_1 : vector<16xf32> to vector<16xf32>
    %swap3A_3 = vector.shape_cast %broadcast_in_dim3A_0 : vector<16xf32> to vector<16xf32>
    tpu.vector_store %arg5[%swap3A], %swap3A_3 {strides = array<i32>} : memref<128xf32, #tpu.memory_space<vmem>>, vector<16xf32>,
    %broadcast_in_dim3A_4 = arith.constant 1.000000e+00 : f32
    %broadcast_in_dim3A_5 = vector.broadcast %broadcast_in_dim3A_4 : f32 to vector<16xf32>
    %swap3A_6 = arith.constant 16 : index
    %swap3A_7 = tpu.vector_load %arg5[%swap3A_6] {strides = array<i32>} : memref<128xf32, #tpu.memory_space<vmem>>, vector<16xf32>,
    %swap3A_8 = vector.shape_cast %swap3A_7 : vector<16xf32> to vector<16xf32>
    %swap3A_9 = vector.shape_cast %broadcast_in_dim3A_5 : vector<16xf32> to vector<16xf32>
    tpu.vector_store %arg5[%swap3A_6], %swap3A_9 {strides = array<i32>} : memref<128xf32, #tpu.memory_space<vmem>>, vector<16xf32>,
    %broadcast_in_dim3A_10 = arith.constant 1.000000e+00 : f32
    %broadcast_in_dim3A_11 = vector.broadcast %broadcast_in_dim3A_10 : f32 to vector<16xf32>
    %swap3A_12 = arith.constant 32 : index
    %swap3A_13 = tpu.vector_load %arg5[%swap3A_12] {strides = array<i32>} : memref<128xf32, #tpu.memory_space<vmem>>, vector<16xf32>,
    %swap3A_14 = vector.shape_cast %swap3A_13 : vector<16xf32> to vector<16xf32>
    %swap3A_15 = vector.shape_cast %broadcast_in_dim3A_11 : vector<16xf32> to vector<16xf32>
    tpu.vector_store %arg5[%swap3A_12], %swap3A_15 {strides = array<i32>} : memref<128xf32, #tpu.memory_space<vmem>>, vector<16xf32>,
    %broadcast_in_dim3A_16 = arith.constant 1.000000e+00 : f32
    %broadcast_in_dim3A_17 = vector.broadcast %broadcast_in_dim3A_16 : f32 to vector<16xf32>
    %swap3A_18 = arith.constant 48 : index
    %swap3A_19 = tpu.vector_load %arg5[%swap3A_18] {strides = array<i32>} : memref<128xf32, #tpu.memory_space<vmem>>, vector<16xf32>,
    %swap3A_20 = vector.shape_cast %swap3A_19 : vector<16xf32> to vector<16xf32>
    %swap3A_21 = vector.shape_cast %broadcast_in_dim3A_17 : vector<16xf32> to vector<16xf32>
    tpu.vector_store %arg5[%swap3A_18], %swap3A_21 {strides = array<i32>} : memref<128xf32, #tpu.memory_space<vmem>>, vector<16xf32>,
    %broadcast_in_dim3A_22 = arith.constant 1.000000e+00 : f32
    %broadcast_in_dim3A_23 = vector.broadcast %broadcast_in_dim3A_22 : f32 to vector<16xf32>
    %swap3A_24 = arith.constant 64 : index
    %swap3A_25 = tpu.vector_load %arg5[%swap3A_24] {strides = array<i32>} : memref<128xf32, #tpu.memory_space<vmem>>, vector<16xf32>,
    %swap3A_26 = vector.shape_cast %swap3A_25 : vector<16xf32> to vector<16xf32>
    %swap3A_27 = vector.shape_cast %broadcast_in_dim3A_23 : vector<16xf32> to vector<16xf32>
    tpu.vector_store %arg5[%swap3A_24], %swap3A_27 {strides = array<i32>} : memref<128xf32, #tpu.memory_space<vmem>>, vector<16xf32>,
    %broadcast_in_dim3A_28 = arith.constant 1.000000e+00 : f32
    %broadcast_in_dim3A_29 = vector.broadcast %broadcast_in_dim3A_28 : f32 to vector<16xf32>
    %swap3A_30 = arith.constant 80 : index
    %swap3A_31 = tpu.vector_load %arg5[%swap3A_30] {strides = array<i32>} : memref<128xf32, #tpu.memory_space<vmem>>, vector<16xf32>,
    %swap3A_32 = vector.shape_cast %swap3A_31 : vector<16xf32> to vector<16xf32>
    %swap3A_33 = vector.shape_cast %broadcast_in_dim3A_29 : vector<16xf32> to vector<16xf32>
    tpu.vector_store %arg5[%swap3A_30], %swap3A_33 {strides = array<i32>} : memref<128xf32, #tpu.memory_space<vmem>>, vector<16xf32>,
    %broadcast_in_dim3A_34 = arith.constant 1.000000e+00 : f32
    %broadcast_in_dim3A_35 = vector.broadcast %broadcast_in_dim3A_34 : f32 to vector<16xf32>
    %swap3A_36 = arith.constant 96 : index
    %swap3A_37 = tpu.vector_load %arg5[%swap3A_36] {strides = array<i32>} : memref<128xf32, #tpu.memory_space<vmem>>, vector<16xf32>,
    %swap3A_38 = vector.shape_cast %swap3A_37 : vector<16xf32> to vector<16xf32>
    %swap3A_39 = vector.shape_cast %broadcast_in_dim3A_35 : vector<16xf32> to vector<16xf32>
    tpu.vector_store %arg5[%swap3A_36], %swap3A_39 {strides = array<i32>} : memref<128xf32, #tpu.memory_space<vmem>>, vector<16xf32>,
    %broadcast_in_dim3A_40 = arith.constant 1.000000e+00 : f32
    %broadcast_in_dim3A_41 = vector.broadcast %broadcast_in_dim3A_40 : f32 to vector<16xf32>
    %swap3A_42 = arith.constant 112 : index
    %swap3A_43 = tpu.vector_load %arg5[%swap3A_42] {strides = array<i32>} : memref<128xf32, #tpu.memory_space<vmem>>, vector<16xf32>,
    %swap3A_44 = vector.shape_cast %swap3A_43 : vector<16xf32> to vector<16xf32>
    %swap3A_45 = vector.shape_cast %broadcast_in_dim3A_41 : vector<16xf32> to vector<16xf32>
    tpu.vector_store %arg5[%swap3A_42], %swap3A_45 {strides = array<i32>} : memref<128xf32, #tpu.memory_space<vmem>>, vector<16xf32>,
    %scan3A = arith.constant 0 : i32
    %scan3A_46 = arith.constant 0 : i32
    %scan3A_47 = arith.constant 40 : i32
    %scan3A_48 = arith.addi %scan3A_46, %scan3A_47 : i32
    %scan3A_49 = arith.constant 1 : i32
    scf.for %scan3A_69 = %scan3A_46 to %scan3A_48 step %scan3A_49  : i32 {
      %broadcast_in_dim3A_70 = arith.constant 0.000000e+00 : f32
      %broadcast_in_dim3A_71 = vector.broadcast %broadcast_in_dim3A_70 : f32 to vector<16xf32>
      %mul3A_72 = arith.constant 16 : i32
      %mul3A_73 = arith.muli %scan3A_69, %mul3A_72 : i32
      %swap3A_74 = arith.index_cast %mul3A_73 : i32 to index
      %swap3A_75 = tpu.vector_load %arg6[%swap3A_74] {strides = array<i32>} : memref<640xf32, #tpu.memory_space<vmem>>, vector<16xf32>,
      %swap3A_76 = vector.shape_cast %swap3A_75 : vector<16xf32> to vector<16xf32>
      %swap3A_77 = vector.shape_cast %broadcast_in_dim3A_71 : vector<16xf32> to vector<16xf32>
      tpu.vector_store %arg6[%swap3A_74], %swap3A_77 {strides = array<i32>} : memref<640xf32, #tpu.memory_space<vmem>>, vector<16xf32>,
    }
    %scan3A_50 = arith.constant 40 : i32
    %mul3A = arith.constant 640 : i32
    %mul3A_51 = arith.muli %arg1, %mul3A : i32
    "tpu.region"() ({
      %run_scoped3A = tpu.sem_alloc : memref<!tpu.dma_semaphore, #tpu.memory_space<semaphore_mem>>
      %dma_start3A = tpu.memref_slice %arg7[%mul3A_51] : memref<10240xf32, #tpu.memory_space<vmem_shared>> -> memref<640xf32, #tpu.memory_space<vmem_shared>>
      %dma_start3A_69 = tpu.memref_slice %arg7[%mul3A_51] : memref<10240xf32, #tpu.memory_space<vmem_shared>> -> memref<640xf32, #tpu.memory_space<vmem_shared>>
      tpu.enqueue_dma source(%arg6 : memref<640xf32, #tpu.memory_space<vmem>>) target(%dma_start3A_69 : memref<640xf32, #tpu.memory_space<vmem_shared>>) target_semaphore(%run_scoped3A : memref<!tpu.dma_semaphore, #tpu.memory_space<semaphore_mem>>)
      %dma_wait3A = tpu.memref_slice %arg7[%mul3A_51] : memref<10240xf32, #tpu.memory_space<vmem_shared>> -> memref<640xf32, #tpu.memory_space<vmem_shared>>
      %dma_wait3A_70 = tpu.memref_slice %arg7[%mul3A_51] : memref<10240xf32, #tpu.memory_space<vmem_shared>> -> memref<640xf32, #tpu.memory_space<vmem_shared>>
      tpu.wait_dma2 semaphore(%run_scoped3A : memref<!tpu.dma_semaphore, #tpu.memory_space<semaphore_mem>>) src(%arg6 : memref<640xf32, #tpu.memory_space<vmem>>) dst(%dma_wait3A_70 : memref<640xf32, #tpu.memory_space<vmem_shared>>)
      tpu.yield
    }) : () -> ()
    %barrier3A = arith.constant 0 : index
    tpu.barrier barrier_id(%barrier3A)
    %mul3A_52 = arith.constant 81 : i32
    %mul3A_53 = arith.muli %arg0, %mul3A_52 : i32
    %add3A = arith.constant 1 : i32
    %add3A_54 = arith.addi %arg0, %add3A : i32
    %mul3A_55 = arith.constant 81 : i32
    %mul3A_56 = arith.muli %add3A_54, %mul3A_55 : i32
    %while3A = arith.constant 0 : i32
    %while3A_57 = arith.subi %mul3A_56, %mul3A_53 : i32
    %while3A_58 = arith.addi %mul3A_53, %while3A_57 : i32
    %while3A_59 = arith.constant 1 : i32
    %while3A_60 = arith.divsi %while3A_57, %while3A_59 : i32
    %while3A_61 = arith.muli %while3A_60, %while3A_59 : i32
    %while3A_62 = arith.addi %mul3A_53, %while3A_61 : i32
    %while3A_63 = arith.constant 1 : i32
    scf.for %while3A_69 = %mul3A_53 to %while3A_62 step %while3A_63  : i32 {
      "tpu.region"() ({
        %run_scoped3A = tpu.sem_alloc : memref<!tpu.dma_semaphore, #tpu.memory_space<semaphore_mem>>
        %dma_start3A = arith.constant 0 : i32
        %dma_start3A_70 = tpu.memref_slice %arg4[%while3A_69, %dma_start3A] : memref<162x128xi32, #tpu.memory_space<vmem>> -> memref<1x128xi32, #tpu.memory_space<vmem>>
        %dma_start3A_71 = tpu.memref_squeeze %dma_start3A_70 : memref<1x128xi32, #tpu.memory_space<vmem>> -> memref<128xi32, #tpu.memory_space<vmem>>
        %dma_start3A_72 = arith.constant 0 : i32
        %dma_start3A_73 = tpu.memref_slice %arg7[%dma_start3A_72] : memref<10240xf32, #tpu.memory_space<vmem_shared>> -> memref<10240xf32, #tpu.memory_space<vmem_shared>>
        tpu.enqueue_indirect_dma source(%arg5 : memref<128xf32, #tpu.memory_space<vmem>>) target(%dma_start3A_73 : memref<10240xf32, #tpu.memory_space<vmem_shared>>) offsets(%dma_start3A_71 : memref<128xi32, #tpu.memory_space<vmem>>) semaphore(%run_scoped3A : memref<!tpu.dma_semaphore, #tpu.memory_space<semaphore_mem>>) {add = true}
        %dma_wait3A = arith.constant 0 : i32
        %dma_wait3A_74 = tpu.memref_slice %arg4[%while3A_69, %dma_wait3A] : memref<162x128xi32, #tpu.memory_space<vmem>> -> memref<1x128xi32, #tpu.memory_space<vmem>>
        %dma_wait3A_75 = tpu.memref_squeeze %dma_wait3A_74 : memref<1x128xi32, #tpu.memory_space<vmem>> -> memref<128xi32, #tpu.memory_space<vmem>>
        %dma_wait3A_76 = arith.constant 0 : i32
        %dma_wait3A_77 = tpu.memref_slice %arg7[%dma_wait3A_76] : memref<10240xf32, #tpu.memory_space<vmem_shared>> -> memref<10240xf32, #tpu.memory_space<vmem_shared>>
        tpu.wait_indirect_dma semaphore(%run_scoped3A : memref<!tpu.dma_semaphore, #tpu.memory_space<semaphore_mem>>) src(%arg5 : memref<128xf32, #tpu.memory_space<vmem>>) dst(%dma_wait3A_77 : memref<10240xf32, #tpu.memory_space<vmem_shared>>)
        tpu.yield
      }) : () -> ()
    }
    %while3A_64 = arith.constant 1 : i32
    scf.for %while3A_69 = %while3A_62 to %while3A_58 step %while3A_64  : i32 {
      "tpu.region"() ({
        %run_scoped3A = tpu.sem_alloc : memref<!tpu.dma_semaphore, #tpu.memory_space<semaphore_mem>>
        %dma_start3A = arith.constant 0 : i32
        %dma_start3A_70 = tpu.memref_slice %arg4[%while3A_69, %dma_start3A] : memref<162x128xi32, #tpu.memory_space<vmem>> -> memref<1x128xi32, #tpu.memory_space<vmem>>
        %dma_start3A_71 = tpu.memref_squeeze %dma_start3A_70 : memref<1x128xi32, #tpu.memory_space<vmem>> -> memref<128xi32, #tpu.memory_space<vmem>>
        %dma_start3A_72 = arith.constant 0 : i32
        %dma_start3A_73 = tpu.memref_slice %arg7[%dma_start3A_72] : memref<10240xf32, #tpu.memory_space<vmem_shared>> -> memref<10240xf32, #tpu.memory_space<vmem_shared>>
        tpu.enqueue_indirect_dma source(%arg5 : memref<128xf32, #tpu.memory_space<vmem>>) target(%dma_start3A_73 : memref<10240xf32, #tpu.memory_space<vmem_shared>>) offsets(%dma_start3A_71 : memref<128xi32, #tpu.memory_space<vmem>>) semaphore(%run_scoped3A : memref<!tpu.dma_semaphore, #tpu.memory_space<semaphore_mem>>) {add = true}
        %dma_wait3A = arith.constant 0 : i32
        %dma_wait3A_74 = tpu.memref_slice %arg4[%while3A_69, %dma_wait3A] : memref<162x128xi32, #tpu.memory_space<vmem>> -> memref<1x128xi32, #tpu.memory_space<vmem>>
        %dma_wait3A_75 = tpu.memref_squeeze %dma_wait3A_74 : memref<1x128xi32, #tpu.memory_space<vmem>> -> memref<128xi32, #tpu.memory_space<vmem>>
        %dma_wait3A_76 = arith.constant 0 : i32
        %dma_wait3A_77 = tpu.memref_slice %arg7[%dma_wait3A_76] : memref<10240xf32, #tpu.memory_space<vmem_shared>> -> memref<10240xf32, #tpu.memory_space<vmem_shared>>
        tpu.wait_indirect_dma semaphore(%run_scoped3A : memref<!tpu.dma_semaphore, #tpu.memory_space<semaphore_mem>>) src(%arg5 : memref<128xf32, #tpu.memory_space<vmem>>) dst(%dma_wait3A_77 : memref<10240xf32, #tpu.memory_space<vmem_shared>>)
        tpu.yield
      }) : () -> ()
    }
    %barrier3A_65 = arith.constant 0 : index
    tpu.barrier barrier_id(%barrier3A_65)
    "tpu.region"() ({
      %run_scoped3A = tpu.sem_alloc : memref<!tpu.dma_semaphore, #tpu.memory_space<semaphore_mem>>
      %dma_start3A = tpu.memref_slice %arg7[%mul3A_51] : memref<10240xf32, #tpu.memory_space<vmem_shared>> -> memref<640xf32, #tpu.memory_space<vmem_shared>>
      %dma_start3A_69 = tpu.memref_slice %arg7[%mul3A_51] : memref<10240xf32, #tpu.memory_space<vmem_shared>> -> memref<640xf32, #tpu.memory_space<vmem_shared>>
      tpu.enqueue_dma source(%dma_start3A_69 : memref<640xf32, #tpu.memory_space<vmem_shared>>) target(%arg6 : memref<640xf32, #tpu.memory_space<vmem>>) target_semaphore(%run_scoped3A : memref<!tpu.dma_semaphore, #tpu.memory_space<semaphore_mem>>)
      %dma_wait3A = tpu.memref_slice %arg7[%mul3A_51] : memref<10240xf32, #tpu.memory_space<vmem_shared>> -> memref<640xf32, #tpu.memory_space<vmem_shared>>
      %dma_wait3A_70 = tpu.memref_slice %arg7[%mul3A_51] : memref<10240xf32, #tpu.memory_space<vmem_shared>> -> memref<640xf32, #tpu.memory_space<vmem_shared>>
      tpu.wait_dma2 semaphore(%run_scoped3A : memref<!tpu.dma_semaphore, #tpu.memory_space<semaphore_mem>>) src(%dma_wait3A_70 : memref<640xf32, #tpu.memory_space<vmem_shared>>) dst(%arg6 : memref<640xf32, #tpu.memory_space<vmem>>)
      tpu.yield
    }) : () -> ()
    %mul3A_66 = arith.constant 10240 : i32
    %mul3A_67 = arith.muli %arg0, %mul3A_66 : i32
    %add3A_68 = arith.addi %mul3A_67, %mul3A_51 : i32
    "tpu.region"() ({
      %run_scoped3A = tpu.sem_alloc : memref<!tpu.dma_semaphore, #tpu.memory_space<semaphore_mem>>
      %dma_start3A = tpu.memref_slice %arg3[%add3A_68] : memref<20480xf32, #tpu.memory_space<hbm>> -> memref<640xf32, #tpu.memory_space<hbm>>
      %dma_start3A_69 = tpu.memref_slice %arg3[%add3A_68] : memref<20480xf32, #tpu.memory_space<hbm>> -> memref<640xf32, #tpu.memory_space<hbm>>
      tpu.enqueue_dma source(%arg6 : memref<640xf32, #tpu.memory_space<vmem>>) target(%dma_start3A_69 : memref<640xf32, #tpu.memory_space<hbm>>) target_semaphore(%run_scoped3A : memref<!tpu.dma_semaphore, #tpu.memory_space<semaphore_mem>>)
      %dma_wait3A = tpu.memref_slice %arg3[%add3A_68] : memref<20480xf32, #tpu.memory_space<hbm>> -> memref<640xf32, #tpu.memory_space<hbm>>
      %dma_wait3A_70 = tpu.memref_slice %arg3[%add3A_68] : memref<20480xf32, #tpu.memory_space<hbm>> -> memref<640xf32, #tpu.memory_space<hbm>>
      tpu.wait_dma2 semaphore(%run_scoped3A : memref<!tpu.dma_semaphore, #tpu.memory_space<semaphore_mem>>) src(%arg6 : memref<640xf32, #tpu.memory_space<vmem>>) dst(%dma_wait3A_70 : memref<640xf32, #tpu.memory_space<hbm>>)
      tpu.yield
    }) : () -> ()
    return
  }
}

</mosaic_0001>

<sc_bundles>
// kernel: _sc_degree.3.cloned.1.call-start
scs
__scs_entry_jumppad:
0x0: {  	(pc) =	sbr.rel $0x88, $3  }
0x1: {  	(tag) =	ssettag $0x0;
	lr =	simm.s32 $0x1  }
0x2: {  	[smem:$0x3FA0] =	sst lr;
	_ =	strace $0xD0000000  }
0x3: {  	_ = 	snop  }
0x4: {  	_ = 	snop  }
0x5: {  	_ = 	snop  }
0x6: {  	_ = 	snop  }
0x7: {  	_ = 	snop  }
__scs_overlays_trampoline_lowered:
0x8: {  	[smem:$0x3FAF] =	sst s0  }
0x9: {  	[smem:$0x3FB0] =	sst s1  }
0xa: {  	[smem:$0x3FB1] =	sst s2  }
0xb: {  	[smem:$0x3FB2] =	sst s3  }
0xc: {  	[smem:$0x3FB3] =	sst s4  }
0xd: {  	[smem:$0x3FB4] =	sst s5  }
0xe: {  	[smem:$0x3FB5] =	sst s6  }
0xf: {  	[smem:$0x3FB6] =	sst s7  }
0x10: {  	[smem:$0x3FB7] =	sst s8  }
0x11: {  	[smem:$0x3FB8] =	sst s9;
	s0 =	simm.s32 @!p0 $0x0  }
0x12: {  	s1 =	sld [smem:$0x3F9E];
	s0 =	simm.s32 @p0 $0x1  }
0x13: {  	[smem:$0x3FB9] =	sst s0;
	s0 =	simm.s32 @!p1 $0x0  }
0x14: {  	s2 =	sld [smem:$0x3F9D];
	s0 =	simm.s32 @p1 $0x1  }
0x15: {  	[smem:$0x3FBA] =	sst s0;
	s0 =	simm.s32 @!p2 $0x0  }
0x16: {  	s3 =	sld [smem:$0x3FDB];
	s0 =	simm.s32 @p2 $0x1  }
0x17: {  	s4 =	simm.s32 $0x1BF5;
	[smem:$0x3FBC] =	sst s0  }
0x18: {  	s0 =	sld [smem:$0x3F9F];
	_ =	swait.ge [sflag:s4], $0x0  }
0x19: {  	s7 =	sld [smem:$0x3FA0]  }
0x1a: {  	s8 =	sadd.s32 $0xFFFFE003, lr  }
0x1b: {  	s9 =	sadd.s32 $0xFFFFFEF7, lr;
	s5 =	simm.s32 $0xFFFFFFFF;
	p2 =	slt.u32 s8, $0xFFFFF086  }
0x1c: {  	p1 =	slt.u32 s9, $0xF7A;
	s5 =	simm.s32 @!p2 $0x0  }
0x1d: {  	s5 =	simm.s32 @p1 $0x1;
	p0 =	seq.s32 s7, s2  }
0x1e: {  	s7 =	smul.u32 @!p0 $0xF7A, s2;
	p2 =	seq.s32 @!p0 s5, $0x0  }
0x1f: {  	s9 =	smul.u32 $0xF7A, s1;
	s8 =	simm.s32 @!p0 $0x1BF5;
	p2 =	por !p2, p0  }
0x20: {  	[sflag:s8] =	ssyncset.s32 @!p0 $0xFFFFF086;
	s6 =	sadd.s32 @!p0 s3, s7;
	s7 =	simm.s32 @!p0 $0x108  }
0x21: {  	s3 =	sadd.s32 s3, s9;
	s6 =	sadd.s32 @!p0 $0x88, s6;
	s7 =	simm.s32 @p2 $0x1082  }
0x22: {  	[simem:s7], [sflag:s8] =	dma.local @!p0 [hbm:s6], $0xF7A  }
0x23: {  	s9 =	sor.u32 $0xD0000000, s2;
	s6 =	simm.s32 $0x108;
	_ =	swait.ge @!p0 [sflag:s8], $0x0  }
0x24: {  	s3 =	sadd.s32 $0x88, s3;
	s6 =	simm.s32 @!p1 $0x1082;
	[sflag:s4] =	ssyncset.s32 $0xFFFFF086  }
0x25: {  	[simem:s6], [sflag:s4] =	dma.local [hbm:s3], $0xF7A  }
0x26: {  	[smem:$0x3FA0] =	sst s1;
	(tag) =	ssettag s2;
	_ =	strace s9  }
0x27: {  	s1 =	sld [smem:$0x3FB0]  }
0x28: {  	s2 =	sld [smem:$0x3FB1]  }
0x29: {  	s4 =	sld [smem:$0x3FB3]  }
0x2a: {  	p0 =	seq.s32 s5, $0x0;
	s5 =	sld [smem:$0x3FB4]  }
0x2b: {  	s6 =	sld [smem:$0x3FB5]  }
0x2c: {  	s7 =	sld [smem:$0x3FB6]  }
0x2d: {  	s3 =	simm.s32 $0x108;
	s8 =	sld [smem:$0x3FB7]  }
0x2e: {  	s3 =	simm.s32 @!p0 $0x1082;
	s9 =	sld [smem:$0x3FB8]  }
0x2f: {  	lr =	sadd.s32 s0, s3;
	s0 =	sld [smem:$0x3FAF]  }
0x30: {  	s3 =	sld [smem:$0x3FB2]  }
0x31: {  	[smem:$0x3FBB] =	sst s10  }
0x32: {  	s10 =	sld [smem:$0x3FB9];
	_ =	sdelay $0x3  }
0x33: {  	p0 =	seq.s32 s10, $0x1;
	s10 =	sld [smem:$0x3FBB];
	_ =	sdelay $0x3  }
0x34: {  	[smem:$0x3FBB] =	sst s10  }
0x35: {  	s10 =	sld [smem:$0x3FBA];
	_ =	sdelay $0x3  }
0x36: {  	p1 =	seq.s32 s10, $0x1;
	s10 =	sld [smem:$0x3FBB];
	_ =	sdelay $0x3  }
0x37: {  	[smem:$0x3FBB] =	sst s10  }
0x38: {  	s10 =	sld [smem:$0x3FBC]  }
0x39: {  	_ = 	snop;
	(pc) =	sbr.ind lr, $3  }
0x3a: {  	_ = 	snop  }
0x3b: {  	_ = 	snop  }
0x3c: {  	p2 =	seq.s32 s10, $0x1;
	s10 =	sld [smem:$0x3FBB]  }
0x3d: {  	_ =	shalt  }
0x3e: {  	_ =	shalt  }
0x3f: {  	_ =	shalt  }
0x40: {  	_ =	shalt  }
0x41: {  	_ =	shalt  }
0x42: {  	_ =	shalt  }
0x43: {  	_ =	shalt  }
0x44: {  	_ =	shalt  }
0x45: {  	_ =	shalt  }
0x46: {  	_ =	shalt  }
0x47: {  	_ =	shalt  }
0x48: {  	_ =	shalt  }
0x49: {  	_ =	shalt  }
0x4a: {  	_ =	shalt  }
0x4b: {  	_ =	shalt  }
0x4c: {  	_ =	shalt  }
0x4d: {  	_ =	shalt  }
0x4e: {  	_ =	shalt  }
0x4f: {  	_ =	shalt  }
0x50: {  	_ =	shalt  }
0x51: {  	_ =	shalt  }
0x52: {  	_ =	shalt  }
0x53: {  	_ =	shalt  }
0x54: {  	_ =	shalt  }
0x55: {  	_ =	shalt  }
0x56: {  	_ =	shalt  }
0x57: {  	_ =	shalt  }
0x58: {  	_ =	shalt  }
0x59: {  	_ =	shalt  }
0x5a: {  	_ =	shalt  }
0x5b: {  	_ =	shalt  }
0x5c: {  	_ =	shalt  }
0x5d: {  	_ =	shalt  }
0x5e: {  	_ =	shalt  }
0x5f: {  	_ =	shalt  }
0x60: {  	_ =	shalt  }
0x61: {  	_ =	shalt  }
0x62: {  	_ =	shalt  }
0x63: {  	_ =	shalt  }
0x64: {  	_ =	shalt  }
0x65: {  	_ =	shalt  }
0x66: {  	_ =	shalt  }
0x67: {  	_ =	shalt  }
0x68: {  	_ =	shalt  }
0x69: {  	_ =	shalt  }
0x6a: {  	_ =	shalt  }
0x6b: {  	_ =	shalt  }
0x6c: {  	_ =	shalt  }
0x6d: {  	_ =	shalt  }
0x6e: {  	_ =	shalt  }
0x6f: {  	_ =	shalt  }
0x70: {  	_ =	shalt  }
0x71: {  	_ =	shalt  }
0x72: {  	_ =	shalt  }
0x73: {  	_ =	shalt  }
0x74: {  	_ =	shalt  }
0x75: {  	_ =	shalt  }
0x76: {  	_ =	shalt  }
0x77: {  	_ =	shalt  }
0x78: {  	_ =	shalt  }
0x79: {  	_ =	shalt  }
0x7a: {  	_ =	shalt  }
0x7b: {  	_ =	shalt  }
0x7c: {  	_ =	shalt  }
0x7d: {  	_ =	shalt  }
0x7e: {  	_ =	shalt  }
0x7f: {  	_ =	shalt  }
0x80: {  	_ =	shalt  }
0x81: {  	_ =	shalt  }
0x82: {  	_ =	shalt  }
0x83: {  	_ =	shalt  }
0x84: {  	_ =	shalt  }
0x85: {  	_ =	shalt  }
0x86: {  	_ =	shalt  }
0x87: {  	_ =	shalt  }
.Lfunc_end0:
.L_simem_size_0:
called_computation_lowered:
.L_overlay_start_0:
0x88: {  	s2 =	sld [smem:$0x3FD9]  }
0x89: {  	s3 =	sld [smem:$0x3FFE];
	_ =	sdelay $0x1  }
0x8a: {  	s1 =	srdreg.scid  }
0x8b: {  	s0 =	sand.u32 $0x1, s1  }
0x8c: {  	s17 =	sshll.u32 s0, $0xA;
	s2 =	sadd.s32 s3, s2  }
0x8d: {  	s2 =	sadd.s32 s2, s17  }
0x8e: {  	[smem:$0x3FC7] =	sst s2  }
0x8f: {  	_ = 	snop  }
0x90: {  	s2 =	sld [smem:$0x3FD0];
	(tm) =	ssettm $0x1  }
0x91: {  	s18 =	sld [smem:$0x3FFB];
	_ =	sdelay $0x3  }
0x92: {  	_ =	strace s18  }
0x93: {  	s3 =	sld [smem:$0x3FFC];
	_ =	sdelay $0x3  }
0x94: {  	_ =	strace s3  }
0x95: {  	s3 =	sld [smem:$0x3FFD];
	_ =	sdelay $0x3  }
0x96: {  	_ =	strace s3  }
0x97: {  	_ =	strace $0x8FFFFFFF  }
0x98: {  	s19 =	sld [smem:$0x3FDB];
	_ =	sdelay $0x1  }
0x99: {  	s4 =	simm.s32 $_scs_section_size  }
0x9a: {  	s5 =	simm.s32 $_size__tile_overlayer_lowered;
	s6 =	simm.s32 $_tile_overlayer_lowered  }
0x9b: {  	s22 =	simm.s32 $0x1BFF;
	s21 =	sshll.u32 s6, $0x1;
	s3 =	sadd.s32 s4, s19  }
0x9c: {  	s7 =	simm.s32 $0x0;
	s20 =	sshll.u32 s5, $0x1;
	s5 =	sadd.s32 s21, s3  }
0x9d: {  	[timem:s7], [sflag:s22] =	dma.local [hbm:s5], s20  }
0x9e: {  	_ =	swait.ge [sflag:s22], s20  }
0x9f: {  	s4 =	ssub.s32 $0x0, s20;
	[sflag:s22] =	ssyncset.done $0x0  }
0xa0: {  	[sflag:s22] =	ssyncadd.s32 s4;
	_ =	sdelay $0x1  }
0xa1: {  	s23 =	simm.s32 $0x1B8B  }
0xa2: {  	_ =	swait.ge [sflag:s23], $0x1  }
0xa3: {  	[sflag:s23] =	ssyncset.done $0x0  }
0xa4: {  	s25 =	simm.s32 $0x1B8E;
	s24 =	sld [smem:$0x3FFE];
	[sflag:s23] =	ssyncadd.s32 $0xFFFFFFFF  }
0xa5: {  	s26 =	simm.s32 $execute0_lowered;
	[smem:$0x3FD2] =	sst s25  }
0xa6: {  	s5 =	sshll.u32 s26, $0x1;
	_ =	strace $0x80000046;
	[dreg:$0x1] =	wrdreg $0xFFFFFFFF  }
0xa7: {  	s28 =	simm.s32 $_size_execute0_lowered;
	s3 =	sadd.s32 s3, s5;
	[dreg:$0x0] =	wrdreg $0x0  }
0xa8: {  	s5 =	sshll.u32 s28, $0x1;
	[dreg:$0x2] =	wrdreg s3  }
0xa9: {  	[dreg:$0x3] =	wrdreg s5  }
0xaa: {  	[dreg:$0x4] =	wrdreg $0xC0  }
0xab: {  	_ =	task [dreg:s7], $0x5FFFF  }
0xac: {  	[dreg:$0x1] =	wrdreg $0xFFFFFFFF  }
0xad: {  	[dreg:$0x0] =	wrdreg $0x60  }
0xae: {  	[dreg:$0x2] =	wrdreg s24  }
0xaf: {  	[dreg:$0x3] =	wrdreg s2  }
0xb0: {  	[dreg:$0x4] =	wrdreg $0x57000  }
0xb1: {  	[dreg:$0x5] =	wrdreg $0x9  }
0xb2: {  	_ =	task.clear_ibuf [dreg:s7], $0x6FFFF;
	_ =	strace $0x90000046  }
0xb3: {  	s29 =	simm.s32 $0x9;
	_ =	strace $0x80000048  }
0xb4: {  	_ =	swait.ge [sflag:s29], $0x1  }
0xb5: {  	[sflag:s29] =	ssyncadd.s32 $0xFFFFFFFF  }
0xb6: {  	_ =	strace $0x90000048  }
0xb7: {  	_ =	sfence  }
0xb8: {  	s30 =	sld [smem:$0x0];
	_ =	sdelay $0x2  }
0xb9: {  	s31 =	sshll.u32 s1, $0xD;
	s1 =	sshrl.u32 s1, $0x2  }
0xba: {  	s3 =	sand.u32 $0x4000, s31;
	s1 =	sadd.s32 s1, s30  }
0xbb: {  	s0 =	sor.u32 s3, s0;
	s1 =	sshll.u32 s1, $0x11  }
0xbc: {  	s0 =	sor.u32 s1, s0  }
0xbd: {  	s0 =	sadd.s32 $0x8F2B, s0  }
0xbe: {  	[sflag:s0] =	ssyncadd.remote.s32 $0x1  }
0xbf: {  	_ =	sfence.sel $0xFFFF  }
0xc0: {  	[dreg:$0x0] =	wrdreg $0xFFFFFFFF;
	(pc) =	sbr.abs _section_cstart, $3  }
0xc1: {  	[dreg:$0x1] =	wrdreg $0xFFFFFFFF  }
0xc2: {  	_ =	task.clear_ibuf [dreg:s7], $0x2FFFF;
	_ =	strace $0x9FFFFFFF  }
0xc3: {  	(tm) =	ssettm $0x7FFFFFFF  }
tec
execute0_lowered:
.L_overlay_start_1:
0x0: {  	(tag) =	ssettag $0x1  }
0x1: {  	s4 =	rddreg [dreg:$0x0]  }
0x2: {  	s6 =	rddreg [dreg:$0x1]  }
0x3: {  	s2 =	rddreg [dreg:$0x2]  }
0x4: {  	s0 =	rddreg [dreg:$0x3]  }
0x5: {  	s1 =	stileid.u32;
	s7 =	srdreg.scid  }
0x6: {  	s3 =	simm.s32 $0x0;
	s12 =	simm.s32 $0x5400;
	s5 =	smul.u32 $0xA80, s1  }
0x7: {  	s13 =	simm.s32 $0x0;
	s7 =	sand.u32 $0x1, s7;
	s8 =	smul.u32 $0x280, s1  }
0x8: {  	[smem:$0x7FF] =	sst s3;
	s9 =	ssub.s32 $0x2, s7;
	s10 =	smul.u32 $0x2800, s7  }
0x9: {  	_ =	strace $0x80000047;
	s31 =	smul.u32 $0xA200, s7;
	s11 =	sshrl.u32 s9, $0x1  }
0xa: {  	s4 =	sadd.s32 s5, s4;
	s5 =	sadd.s32 s8, s2;
	s9 =	ssub.s32 s9, s11  }
0xb: {  	s30 =	sadd.s32 s8, s10;
	s4 =	sadd.s32 $0x400, s4;
	s8 =	sshrl.u32 s31, $0x2  }
0xc: {  	s11 =	simm.s32 $0x80;
	s10 =	sshrl.u32 s30, $0x3;
	s7 =	smax.u32 s9, $0x1  }
0xd: {  	v0 =	vimm.f32 $1.000000000e+00;
	v1 =	vimm.f32 $0.0e+00;
	s9 =	simm.s32 $0x1;
	s6 =	sadd.s32 s6, s10;
	s10 =	simm.s32 $0x5480  }
.LBB2_1:
0xe: {  	[tilespmem:s3], [sflag:$0x1] =	stream.linear.gather [hbm4b:s4+s3], $0x5100, $0x38;
	[tilespmem:$0x5980] =	vst v63  }
0xf: {  	_ =	swait.ge [sflag:s9], $0x5100  }
0x10: {  	[sflag:s9] =	ssyncset.done $0x0  }
0x11: {  	[sflag:s9] =	ssyncadd.s32 $0xFFFFAF00  }
0x12: {  	[tilespmem:$0x5400] =	vst v0  }
0x13: {  	[tilespmem:$0x5410] =	vst v0  }
0x14: {  	[tilespmem:$0x5420] =	vst v0  }
0x15: {  	[tilespmem:$0x5430] =	vst v0  }
0x16: {  	[tilespmem:$0x5440] =	vst v0  }
0x17: {  	[tilespmem:$0x5450] =	vst v0  }
0x18: {  	[tilespmem:$0x5460] =	vst v0  }
0x19: {  	[tilespmem:$0x5470] =	vst v0  }
0x1a: {  	[tilespmem:$0x5480] =	vst v1  }
0x1b: {  	[tilespmem:$0x5490] =	vst v1  }
0x1c: {  	[tilespmem:$0x54A0] =	vst v1  }
0x1d: {  	[tilespmem:$0x54B0] =	vst v1  }
0x1e: {  	[tilespmem:$0x54C0] =	vst v1  }
0x1f: {  	[tilespmem:$0x54D0] =	vst v1  }
0x20: {  	[tilespmem:$0x54E0] =	vst v1  }
0x21: {  	[tilespmem:$0x54F0] =	vst v1  }
0x22: {  	[tilespmem:$0x5500] =	vst v1  }
0x23: {  	[tilespmem:$0x5510] =	vst v1  }
0x24: {  	[tilespmem:$0x5520] =	vst v1  }
0x25: {  	[tilespmem:$0x5530] =	vst v1  }
0x26: {  	[tilespmem:$0x5540] =	vst v1  }
0x27: {  	[tilespmem:$0x5550] =	vst v1  }
0x28: {  	[tilespmem:$0x5560] =	vst v1  }
0x29: {  	[tilespmem:$0x5570] =	vst v1  }
0x2a: {  	[tilespmem:$0x5580] =	vst v1  }
0x2b: {  	[tilespmem:$0x5590] =	vst v1  }
0x2c: {  	[tilespmem:$0x55A0] =	vst v1  }
0x2d: {  	[tilespmem:$0x55B0] =	vst v1  }
0x2e: {  	[tilespmem:$0x55C0] =	vst v1  }
0x2f: {  	[tilespmem:$0x55D0] =	vst v1  }
0x30: {  	[tilespmem:$0x55E0] =	vst v1  }
0x31: {  	[tilespmem:$0x55F0] =	vst v1  }
0x32: {  	[tilespmem:$0x5600] =	vst v1  }
0x33: {  	[tilespmem:$0x5610] =	vst v1  }
0x34: {  	[tilespmem:$0x5620] =	vst v1  }
0x35: {  	[tilespmem:$0x5630] =	vst v1  }
0x36: {  	[tilespmem:$0x5640] =	vst v1  }
0x37: {  	[tilespmem:$0x5650] =	vst v1  }
0x38: {  	[tilespmem:$0x5660] =	vst v1  }
0x39: {  	[tilespmem:$0x5670] =	vst v1  }
0x3a: {  	[tilespmem:$0x5680] =	vst v1  }
0x3b: {  	[tilespmem:$0x5690] =	vst v1  }
0x3c: {  	[tilespmem:$0x56A0] =	vst v1  }
0x3d: {  	[tilespmem:$0x56B0] =	vst v1  }
0x3e: {  	[tilespmem:$0x56C0] =	vst v1  }
0x3f: {  	[tilespmem:$0x56D0] =	vst v1  }
0x40: {  	[tilespmem:$0x56E0] =	vst v1  }
0x41: {  	[tilespmem:$0x56F0] =	vst v1  }
0x42: {  	[spmem:s5] =	stream.linear.scatter [tilespmem:s10], [sflag:$0x1], $0x280, $0x38;
	[tilespmem:$0x5980] =	vst v63  }
0x43: {  	_ =	swait.ge [sflag:s9], $0x280  }
0x44: {  	[sflag:s9] =	ssyncset.done $0x0  }
0x45: {  	[sflag:s9] =	ssyncadd.s32 $0xFFFFFD80  }
0x46: {  	s14 =	sadd.s32 $0x0, s8;
	[bflag:$0x0] =	sbarrier.arrive $0xFFFF  }
0x47: {  	[spmem:s2] =	stream.indirect.scatter.add.f32 [tilespmem:s12], [sflag:$0x1], $0x1, s14, s11, $0xb8;
	[tilespmem:$0x5980] =	vst v63  }
0x48: {  	s14 =	simm.s32 $0x200;
	_ =	swait.ge [sflag:s9], $0x80  }
.LBB2_2:
0x49: {  	s15 =	sshra.s32 s14, $0x2;
	[sflag:s9] =	ssyncset.done $0x0;
	p0 =	sne.s32 s14, $0xA000  }
.Ltmp0:
0x4a: {  	s15 =	sadd.s32 s15, s8;
	[sflag:s9] =	ssyncadd.s32 $0xFFFFFF80;
	(pc) =	sbr.rel @p0 .LBB2_2-.Ltmp0, $3  }
0x4b: {  	[spmem:s2] =	stream.indirect.scatter.add.f32 [tilespmem:s12], [sflag:$0x1], $0x1, s15, s11, $0xb8;
	[tilespmem:$0x5980] =	vst v63  }
0x4c: {  	s14 =	sadd.s32 $0x200, s14;
	_ =	sdelay $0x1  }
0x4d: {  	_ =	swait.ge [sflag:s9], $0x80  }
0x4e: {  	[sflag:s9] =	ssyncset.done $0x0  }
0x4f: {  	[sflag:s9] =	ssyncadd.s32 $0xFFFFFF80  }
0x50: {  	[bflag:$0x0] =	sbarrier.arrive $0xFFFF  }
0x51: {  	[tilespmem:s10], [sflag:$0x1] =	stream.linear.gather [spmem:s5], $0x280, $0x38;
	[tilespmem:$0x5980] =	vst v63  }
0x52: {  	s13 =	sadd.s32 $0x1, s13;
	_ =	swait.ge [sflag:s9], $0x280  }
0x53: {  	p0 =	sne.s32 s13, s7;
	[sflag:s9] =	ssyncset.done $0x0  }
.Ltmp1:
0x54: {  	[sflag:s9] =	ssyncadd.s32 $0xFFFFFD80;
	(pc) =	sbr.rel @p0 .LBB2_1-.Ltmp1, $4  }
0x55: {  	[hbm4b:s6+s3] =	stream.linear.scatter [tilespmem:s10], [sflag:$0x1], $0x280, $0x38;
	[tilespmem:$0x5980] =	vst v63  }
0x56: {  	_ =	swait.ge [sflag:s9], $0x280  }
0x57: {  	[sflag:s9] =	ssyncset.done $0x0  }
0x58: {  	[sflag:s9] =	ssyncadd.s32 $0xFFFFFD80  }
0x59: {  	_ =	sfence.sel $0x180000  }
0x5a: {  	[bflag:$0x0] =	sbarrier.arrive $0xFFFF  }
0x5b: {  	p0 =	sne.s32 s1, $0x0;
	_ =	strace $0x90000047  }
0x5c: {  	s0 =	sadd.s32 @!p0 $0x100000, s0;
	[bflag:$0x2] =	sbarrier.arrive $0xFFFF  }
0x5d: {  	[sflag:s0] =	ssyncadd.tile.s32 @!p0 $0x1;
	_ =	shalt  }
.Lfunc_end2:
_tile_overlayer_lowered:
.L_overlay_start_2:
0x5e: {  	(tag) =	ssettag $0x2  }
0x5f: {  	s0 =	rddreg [dreg:$0x0];
	s2 =	stileid.u32  }
0x60: {  	s1 =	rddreg [dreg:$0x1];
	p0 =	sne.s32 s2, $0x0  }
0x61: {  	s3 =	rddreg [dreg:$0x2];
	[bflag:$0x3] =	sbarrier.arrive $0xFFFF;
	s2 =	simm.s32 @!p0 $0x1C01  }
0x62: {  	[timem:s3], [sflag:s2] =	dma.local @!p0 [hbm:s0], s1  }
0x63: {  	s0 =	simm.s32 @!p0 $0x1  }
0x64: {  	_ =	swait.ge @!p0 [sflag:s0], s1  }
0x65: {  	s1 =	ssub.s32 @!p0 $0x0, s1;
	[sflag:s0] =	ssyncset.done @!p0 $0x0  }
0x66: {  	[sflag:s0] =	ssyncadd.s32 @!p0 s1  }
0x67: {  	[bflag:$0x3] =	sbarrier.arrive $0xFFFF  }
0x68: {  	_ =	shalt  }

</sc_bundles>
